<compile_context>
chip_gen: v7x
topology: tpu7x:2x2x1
jax: 0.10.2.dev20260603
libtpu: 0.0.44.dev20260713+nightly
codegen_flags: <defaults>
</compile_context>

<pallas_src>
import functools

import jax
import jax.numpy as jnp
from jax import lax
from jax.experimental import pallas as pl
from jax.experimental.pallas import tpu as pltpu
from jax.experimental.pallas import tpu_sc as plsc

_NC = 2
_NS = 16
_NW = _NC * _NS
_CH = 128


@functools.lru_cache(maxsize=None)
def _make_gather(V, D, B):
  b_per_w = B // _NW
  nch = b_per_w // _CH
  mesh = plsc.VectorSubcoreMesh(core_axis_name="c", subcore_axis_name="s")

  nbuf = 5

  @functools.partial(
      pl.kernel,
      mesh=mesh,
      out_type=jax.ShapeDtypeStruct((B, D), jnp.float32),
      scratch_types=[
          pltpu.VMEM((nch, _CH), jnp.int32),
          [pltpu.VMEM((_CH, D), jnp.float32) for _ in range(nbuf)],
          [pltpu.SemaphoreType.DMA for _ in range(nbuf)],
          [pltpu.SemaphoreType.DMA for _ in range(nbuf)],
      ],
      compiler_params=pltpu.CompilerParams(use_tc_tiling_on_sc=True),
  )
  def gather(table_hbm, idx_hbm, out_hbm, idx_v, bufs, gsems, wsems):
    wid = lax.axis_index("s") * _NC + lax.axis_index("c")
    base = wid * b_per_w
    pltpu.sync_copy(idx_hbm.at[wid], idx_v)

    def g(j, b):
      return pltpu.make_async_copy(table_hbm.at[idx_v.at[j]], bufs[b],
                                   gsems[b])

    def wr(j, b):
      return pltpu.make_async_copy(
          bufs[b], out_hbm.at[pl.ds(base + j * _CH, _CH)], wsems[b])

    pf = 3
    for b in range(pf):
      g(b, b).start()

    def body(i, carry):
      for b in range(nbuf):
        j = nbuf * i + b
        g(j, b).wait()
        wr(j, b).start()
        jp = j + pf
        bp = (b + pf) % nbuf

        @pl.when(jnp.logical_and(jp < nch, j >= nbuf - pf))
        def _():
          wr(jp, bp).wait()

        @pl.when(jp < nch)
        def _():
          g(jp, bp).start()
      return carry

    lax.fori_loop(0, nch // nbuf, body, 0)
    for b in range(nbuf):
      wr(0, b).wait()

  return gather


def _linear_tc(x, w):
  def mm(x_ref, w_ref, o_ref):
    o_ref[...] = lax.dot_general(
        x_ref[...], w_ref[...], (((1,), (1,)), ((), ())),
        preferred_element_type=jnp.float32)

  return pl.pallas_call(
      mm,
      out_shape=jax.ShapeDtypeStruct((x.shape[0], w.shape[0]), jnp.float32),
  )(x, w)


def kernel(token_ids, dense_feat, embedding_weight, linear_weight):
  B, S = token_ids.shape
  V, D = embedding_weight.shape
  n = B * S
  idx = token_ids.astype(jnp.int32).T.reshape(-1)
  idx3 = idx.reshape(_NW, n // (_NW * _CH), _CH)
  emb_flat = _make_gather(V, D, n)(embedding_weight, idx3)
  emb_out = emb_flat.reshape(S, B, D).transpose(1, 0, 2)
  lin_out = _linear_tc(dense_feat.astype(jnp.float32),
                       linear_weight.astype(jnp.float32))
  return (emb_out, lin_out)

# --- scband reference (transcript-rebuilt; emitter-appended) ---
"""Pipeline reference for scband-toy-mixed-embedding-model-25563645346134 (READ-ONLY COPY).

The authoritative reference and input builder live on the scoring server;
editing this copy changes nothing except your own understanding.
"""

import jax, jax.numpy as jnp
import numpy as np

VOCAB = 100000
DIM = 128

def setup_inputs(seed: int = 0) -> dict:
    key = jax.random.key(seed)
    k1, k2 = jax.random.split(key)
    token_ids = jax.random.randint(k1, (4096, 50), 0, VOCAB, dtype=jnp.int64)
    dense_feat = jax.random.normal(k2, (4096, 128), dtype=jnp.float32)
    # Deterministic parameters per the module's __init__
    embedding_weight = (jnp.arange(VOCAB * DIM, dtype=jnp.float32).reshape(VOCAB, DIM)) / float(VOCAB)
    linear_weight = jnp.eye(DIM, dtype=jnp.float32)
    return {
        "token_ids": token_ids,
        "dense_feat": dense_feat,
        "embedding_weight": embedding_weight,
        "linear_weight": linear_weight,
    }

def reference(token_ids, dense_feat, embedding_weight, linear_weight):
    # int-dtype dict entries -> embedding lookup; float entries -> linear (no bias)
    emb_out = jnp.take(embedding_weight, token_ids, axis=0)
    lin_out = dense_feat.astype(jnp.float32) @ linear_weight.T
    return (emb_out, lin_out)

if __name__ == "__main__":
    import jax
    _d = setup_inputs()
    print(jax.jit(kernel)(*tuple(_d.values())))

</pallas_src>

<mosaic_0001>
#map = affine_map<(d0, d1) -> (0, 0)>
#map1 = affine_map<(d0, d1) -> (0, 0, 0)>
module attributes {stable_mosaic.version = 14 : i64} {
  func.func @gather(%arg0: i32, %arg1: i32, %arg2: memref<100000x128xf32, #tpu.memory_space<hbm>>, %arg3: memref<32x50x128xi32, #tpu.memory_space<hbm>>, %arg4: memref<204800x128xf32, #tpu.memory_space<hbm>>, %arg5: memref<50x128xi32, #tpu.memory_space<vmem>>, %arg6: memref<128x128xf32, #tpu.memory_space<vmem>>, %arg7: memref<128x128xf32, #tpu.memory_space<vmem>>, %arg8: memref<128x128xf32, #tpu.memory_space<vmem>>, %arg9: memref<128x128xf32, #tpu.memory_space<vmem>>, %arg10: memref<128x128xf32, #tpu.memory_space<vmem>>, %arg11: memref<!tpu.dma_semaphore, #tpu.memory_space<semaphore_mem>>, %arg12: memref<!tpu.dma_semaphore, #tpu.memory_space<semaphore_mem>>, %arg13: memref<!tpu.dma_semaphore, #tpu.memory_space<semaphore_mem>>, %arg14: memref<!tpu.dma_semaphore, #tpu.memory_space<semaphore_mem>>, %arg15: memref<!tpu.dma_semaphore, #tpu.memory_space<semaphore_mem>>, %arg16: memref<!tpu.dma_semaphore, #tpu.memory_space<semaphore_mem>>, %arg17: memref<!tpu.dma_semaphore, #tpu.memory_space<semaphore_mem>>, %arg18: memref<!tpu.dma_semaphore, #tpu.memory_space<semaphore_mem>>, %arg19: memref<!tpu.dma_semaphore, #tpu.memory_space<semaphore_mem>>, %arg20: memref<!tpu.dma_semaphore, #tpu.memory_space<semaphore_mem>>) attributes {dimension_semantics = [#tpu.dimension_semantics<core_parallel>, #tpu.dimension_semantics<subcore_parallel>], iteration_bounds = array<i64: 2, 16>, scalar_prefetch = 0 : i64, scratch_operands = 16 : i64, tpu.core_type = #tpu.core_type<sc_vector_subcore>, window_params = [{transform_indices = #map}, {transform_indices = #map1}, {transform_indices = #map}]} {
    %mul3A = arith.constant 2 : i32
    %mul3A_0 = arith.muli %arg1, %mul3A : i32
    %add3A = arith.addi %mul3A_0, %arg0 : i32
    %mul3A_1 = arith.constant 6400 : i32
    %mul3A_2 = arith.muli %add3A, %mul3A_1 : i32
    "tpu.region"() ({
      %run_scoped3A = tpu.sem_alloc : memref<!tpu.dma_semaphore, #tpu.memory_space<semaphore_mem>>
      %dma_start3A_57 = arith.constant 0 : i32
      %dma_start3A_58 = arith.constant 0 : i32
      %dma_start3A_59 = tpu.memref_slice %arg3[%add3A, %dma_start3A_57, %dma_start3A_58] : memref<32x50x128xi32, #tpu.memory_space<hbm>> -> memref<1x50x128xi32, #tpu.memory_space<hbm>>
      %dma_start3A_60 = tpu.memref_squeeze %dma_start3A_59 : memref<1x50x128xi32, #tpu.memory_space<hbm>> -> memref<50x128xi32, #tpu.memory_space<hbm>>
      %dma_start3A_61 = arith.constant 0 : i32
      %dma_start3A_62 = arith.constant 0 : i32
      %dma_start3A_63 = tpu.memref_slice %arg3[%add3A, %dma_start3A_61, %dma_start3A_62] : memref<32x50x128xi32, #tpu.memory_space<hbm>> -> memref<1x50x128xi32, #tpu.memory_space<hbm>>
      %dma_start3A_64 = tpu.memref_squeeze %dma_start3A_63 : memref<1x50x128xi32, #tpu.memory_space<hbm>> -> memref<50x128xi32, #tpu.memory_space<hbm>>
      tpu.enqueue_dma source(%dma_start3A_64 : memref<50x128xi32, #tpu.memory_space<hbm>>) target(%arg5 : memref<50x128xi32, #tpu.memory_space<vmem>>) target_semaphore(%run_scoped3A : memref<!tpu.dma_semaphore, #tpu.memory_space<semaphore_mem>>)
      %dma_wait3A_65 = arith.constant 0 : i32
      %dma_wait3A_66 = arith.constant 0 : i32
      %dma_wait3A_67 = tpu.memref_slice %arg3[%add3A, %dma_wait3A_65, %dma_wait3A_66] : memref<32x50x128xi32, #tpu.memory_space<hbm>> -> memref<1x50x128xi32, #tpu.memory_space<hbm>>
      %dma_wait3A_68 = tpu.memref_squeeze %dma_wait3A_67 : memref<1x50x128xi32, #tpu.memory_space<hbm>> -> memref<50x128xi32, #tpu.memory_space<hbm>>
      %dma_wait3A_69 = arith.constant 0 : i32
      %dma_wait3A_70 = arith.constant 0 : i32
      %dma_wait3A_71 = tpu.memref_slice %arg3[%add3A, %dma_wait3A_69, %dma_wait3A_70] : memref<32x50x128xi32, #tpu.memory_space<hbm>> -> memref<1x50x128xi32, #tpu.memory_space<hbm>>
      %dma_wait3A_72 = tpu.memref_squeeze %dma_wait3A_71 : memref<1x50x128xi32, #tpu.memory_space<hbm>> -> memref<50x128xi32, #tpu.memory_space<hbm>>
      tpu.wait_dma2 semaphore(%run_scoped3A : memref<!tpu.dma_semaphore, #tpu.memory_space<semaphore_mem>>) src(%dma_wait3A_72 : memref<50x128xi32, #tpu.memory_space<hbm>>) dst(%arg5 : memref<50x128xi32, #tpu.memory_space<vmem>>)
      tpu.yield
    }) : () -> ()
    %dma_start3A = arith.constant 0 : i32
    %dma_start3A_3 = arith.constant 0 : i32
    %dma_start3A_4 = tpu.memref_slice %arg5[%dma_start3A, %dma_start3A_3] : memref<50x128xi32, #tpu.memory_space<vmem>> -> memref<1x128xi32, #tpu.memory_space<vmem>>
    %dma_start3A_5 = tpu.memref_squeeze %dma_start3A_4 : memref<1x128xi32, #tpu.memory_space<vmem>> -> memref<128xi32, #tpu.memory_space<vmem>>
    %dma_start3A_6 = arith.constant 0 : i32
    %dma_start3A_7 = arith.constant 0 : i32
    %dma_start3A_8 = tpu.memref_slice %arg2[%dma_start3A_6, %dma_start3A_7] : memref<100000x128xf32, #tpu.memory_space<hbm>> -> memref<100000x128xf32, #tpu.memory_space<hbm>>
    tpu.enqueue_indirect_dma source(%dma_start3A_8 : memref<100000x128xf32, #tpu.memory_space<hbm>>) target(%arg6 : memref<128x128xf32, #tpu.memory_space<vmem>>) offsets(%dma_start3A_5 : memref<128xi32, #tpu.memory_space<vmem>>) semaphore(%arg11 : memref<!tpu.dma_semaphore, #tpu.memory_space<semaphore_mem>>)
    %dma_start3A_9 = arith.constant 1 : i32
    %dma_start3A_10 = arith.constant 0 : i32
    %dma_start3A_11 = tpu.memref_slice %arg5[%dma_start3A_9, %dma_start3A_10] : memref<50x128xi32, #tpu.memory_space<vmem>> -> memref<1x128xi32, #tpu.memory_space<vmem>>
    %dma_start3A_12 = tpu.memref_squeeze %dma_start3A_11 : memref<1x128xi32, #tpu.memory_space<vmem>> -> memref<128xi32, #tpu.memory_space<vmem>>
    %dma_start3A_13 = arith.constant 0 : i32
    %dma_start3A_14 = arith.constant 0 : i32
    %dma_start3A_15 = tpu.memref_slice %arg2[%dma_start3A_13, %dma_start3A_14] : memref<100000x128xf32, #tpu.memory_space<hbm>> -> memref<100000x128xf32, #tpu.memory_space<hbm>>
    tpu.enqueue_indirect_dma source(%dma_start3A_15 : memref<100000x128xf32, #tpu.memory_space<hbm>>) target(%arg7 : memref<128x128xf32, #tpu.memory_space<vmem>>) offsets(%dma_start3A_12 : memref<128xi32, #tpu.memory_space<vmem>>) semaphore(%arg12 : memref<!tpu.dma_semaphore, #tpu.memory_space<semaphore_mem>>)
    %dma_start3A_16 = arith.constant 2 : i32
    %dma_start3A_17 = arith.constant 0 : i32
    %dma_start3A_18 = tpu.memref_slice %arg5[%dma_start3A_16, %dma_start3A_17] : memref<50x128xi32, #tpu.memory_space<vmem>> -> memref<1x128xi32, #tpu.memory_space<vmem>>
    %dma_start3A_19 = tpu.memref_squeeze %dma_start3A_18 : memref<1x128xi32, #tpu.memory_space<vmem>> -> memref<128xi32, #tpu.memory_space<vmem>>
    %dma_start3A_20 = arith.constant 0 : i32
    %dma_start3A_21 = arith.constant 0 : i32
    %dma_start3A_22 = tpu.memref_slice %arg2[%dma_start3A_20, %dma_start3A_21] : memref<100000x128xf32, #tpu.memory_space<hbm>> -> memref<100000x128xf32, #tpu.memory_space<hbm>>
    tpu.enqueue_indirect_dma source(%dma_start3A_22 : memref<100000x128xf32, #tpu.memory_space<hbm>>) target(%arg8 : memref<128x128xf32, #tpu.memory_space<vmem>>) offsets(%dma_start3A_19 : memref<128xi32, #tpu.memory_space<vmem>>) semaphore(%arg13 : memref<!tpu.dma_semaphore, #tpu.memory_space<semaphore_mem>>)
    %scan3A = arith.constant 0 : i32
    %scan3A_23 = arith.constant 0 : i32
    %scan3A_24 = arith.constant 10 : i32
    %scan3A_25 = arith.addi %scan3A_23, %scan3A_24 : i32
    %scan3A_26 = arith.constant 1 : i32
    scf.for %scan3A_57 = %scan3A_23 to %scan3A_25 step %scan3A_26  : i32 {
      %mul3A_58 = arith.constant 5 : i32
      %mul3A_59 = arith.muli %mul3A_58, %scan3A_57 : i32
      %add3A_60 = arith.constant 0 : i32
      %add3A_61 = arith.addi %mul3A_59, %add3A_60 : i32
      %dma_wait3A_62 = arith.constant 0 : i32
      %dma_wait3A_63 = tpu.memref_slice %arg5[%add3A_61, %dma_wait3A_62] : memref<50x128xi32, #tpu.memory_space<vmem>> -> memref<1x128xi32, #tpu.memory_space<vmem>>
      %dma_wait3A_64 = tpu.memref_squeeze %dma_wait3A_63 : memref<1x128xi32, #tpu.memory_space<vmem>> -> memref<128xi32, #tpu.memory_space<vmem>>
      %dma_wait3A_65 = arith.constant 0 : i32
      %dma_wait3A_66 = arith.constant 0 : i32
      %dma_wait3A_67 = tpu.memref_slice %arg2[%dma_wait3A_65, %dma_wait3A_66] : memref<100000x128xf32, #tpu.memory_space<hbm>> -> memref<100000x128xf32, #tpu.memory_space<hbm>>
      tpu.wait_indirect_dma semaphore(%arg11 : memref<!tpu.dma_semaphore, #tpu.memory_space<semaphore_mem>>) src(%dma_wait3A_67 : memref<100000x128xf32, #tpu.memory_space<hbm>>) dst(%arg6 : memref<128x128xf32, #tpu.memory_space<vmem>>)
      %mul3A_68 = arith.constant 128 : i32
      %mul3A_69 = arith.muli %add3A_61, %mul3A_68 : i32
      %add3A_70 = arith.addi %mul3A_2, %mul3A_69 : i32
      %dma_start3A_71 = arith.constant 0 : i32
      %dma_start3A_72 = tpu.memref_slice %arg4[%add3A_70, %dma_start3A_71] : memref<204800x128xf32, #tpu.memory_space<hbm>> -> memref<128x128xf32, #tpu.memory_space<hbm>>
      %dma_start3A_73 = arith.constant 0 : i32
      %dma_start3A_74 = tpu.memref_slice %arg4[%add3A_70, %dma_start3A_73] : memref<204800x128xf32, #tpu.memory_space<hbm>> -> memref<128x128xf32, #tpu.memory_space<hbm>>
      tpu.enqueue_dma source(%arg6 : memref<128x128xf32, #tpu.memory_space<vmem>>) target(%dma_start3A_74 : memref<128x128xf32, #tpu.memory_space<hbm>>) target_semaphore(%arg16 : memref<!tpu.dma_semaphore, #tpu.memory_space<semaphore_mem>>)
      %add3A_75 = arith.constant 3 : i32
      %add3A_76 = arith.addi %add3A_61, %add3A_75 : i32
      %lt3A = arith.constant 50 : i32
      %lt3A_77 = arith.cmpi slt, %add3A_76, %lt3A : i32
      %ge3A = arith.constant 2 : i32
      %ge3A_78 = arith.cmpi sge, %add3A_61, %ge3A : i32
      %and3A = arith.andi %lt3A_77, %ge3A_78 : i1
      %convert_element_type3A = arith.extui %and3A : i1 to i32
      %cond3A = arith.constant 0 : i32
      %cond3A_79 = arith.cmpi ne, %convert_element_type3A, %cond3A : i32
      scf.if %cond3A_79 {
        %mul3A_213 = arith.constant 128 : i32
        %mul3A_214 = arith.muli %add3A_76, %mul3A_213 : i32
        %add3A_215 = arith.addi %mul3A_2, %mul3A_214 : i32
        %dma_wait3A_216 = arith.constant 0 : i32
        %dma_wait3A_217 = tpu.memref_slice %arg4[%add3A_215, %dma_wait3A_216] : memref<204800x128xf32, #tpu.memory_space<hbm>> -> memref<128x128xf32, #tpu.memory_space<hbm>>
        %dma_wait3A_218 = arith.constant 0 : i32
        %dma_wait3A_219 = tpu.memref_slice %arg4[%add3A_215, %dma_wait3A_218] : memref<204800x128xf32, #tpu.memory_space<hbm>> -> memref<128x128xf32, #tpu.memory_space<hbm>>
        tpu.wait_dma2 semaphore(%arg19 : memref<!tpu.dma_semaphore, #tpu.memory_space<semaphore_mem>>) src(%arg9 : memref<128x128xf32, #tpu.memory_space<vmem>>) dst(%dma_wait3A_219 : memref<128x128xf32, #tpu.memory_space<hbm>>)
      } else {
      }
      %lt3A_80 = arith.constant 50 : i32
      %lt3A_81 = arith.cmpi slt, %add3A_76, %lt3A_80 : i32
      %convert_element_type3A_82 = arith.extui %lt3A_81 : i1 to i32
      %cond3A_83 = arith.constant 0 : i32
      %cond3A_84 = arith.cmpi ne, %convert_element_type3A_82, %cond3A_83 : i32
      scf.if %cond3A_84 {
        %dma_start3A_213 = arith.constant 0 : i32
        %dma_start3A_214 = tpu.memref_slice %arg5[%add3A_76, %dma_start3A_213] : memref<50x128xi32, #tpu.memory_space<vmem>> -> memref<1x128xi32, #tpu.memory_space<vmem>>
        %dma_start3A_215 = tpu.memref_squeeze %dma_start3A_214 : memref<1x128xi32, #tpu.memory_space<vmem>> -> memref<128xi32, #tpu.memory_space<vmem>>
        %dma_start3A_216 = arith.constant 0 : i32
        %dma_start3A_217 = arith.constant 0 : i32
        %dma_start3A_218 = tpu.memref_slice %arg2[%dma_start3A_216, %dma_start3A_217] : memref<100000x128xf32, #tpu.memory_space<hbm>> -> memref<100000x128xf32, #tpu.memory_space<hbm>>
        tpu.enqueue_indirect_dma source(%dma_start3A_218 : memref<100000x128xf32, #tpu.memory_space<hbm>>) target(%arg9 : memref<128x128xf32, #tpu.memory_space<vmem>>) offsets(%dma_start3A_215 : memref<128xi32, #tpu.memory_space<vmem>>) semaphore(%arg14 : memref<!tpu.dma_semaphore, #tpu.memory_space<semaphore_mem>>)
      } else {
      }
      %mul3A_85 = arith.constant 5 : i32
      %mul3A_86 = arith.muli %mul3A_85, %scan3A_57 : i32
      %add3A_87 = arith.constant 1 : i32
      %add3A_88 = arith.addi %mul3A_86, %add3A_87 : i32
      %dma_wait3A_89 = arith.constant 0 : i32
      %dma_wait3A_90 = tpu.memref_slice %arg5[%add3A_88, %dma_wait3A_89] : memref<50x128xi32, #tpu.memory_space<vmem>> -> memref<1x128xi32, #tpu.memory_space<vmem>>
      %dma_wait3A_91 = tpu.memref_squeeze %dma_wait3A_90 : memref<1x128xi32, #tpu.memory_space<vmem>> -> memref<128xi32, #tpu.memory_space<vmem>>
      %dma_wait3A_92 = arith.constant 0 : i32
      %dma_wait3A_93 = arith.constant 0 : i32
      %dma_wait3A_94 = tpu.memref_slice %arg2[%dma_wait3A_92, %dma_wait3A_93] : memref<100000x128xf32, #tpu.memory_space<hbm>> -> memref<100000x128xf32, #tpu.memory_space<hbm>>
      tpu.wait_indirect_dma semaphore(%arg12 : memref<!tpu.dma_semaphore, #tpu.memory_space<semaphore_mem>>) src(%dma_wait3A_94 : memref<100000x128xf32, #tpu.memory_space<hbm>>) dst(%arg7 : memref<128x128xf32, #tpu.memory_space<vmem>>)
      %mul3A_95 = arith.constant 128 : i32
      %mul3A_96 = arith.muli %add3A_88, %mul3A_95 : i32
      %add3A_97 = arith.addi %mul3A_2, %mul3A_96 : i32
      %dma_start3A_98 = arith.constant 0 : i32
      %dma_start3A_99 = tpu.memref_slice %arg4[%add3A_97, %dma_start3A_98] : memref<204800x128xf32, #tpu.memory_space<hbm>> -> memref<128x128xf32, #tpu.memory_space<hbm>>
      %dma_start3A_100 = arith.constant 0 : i32
      %dma_start3A_101 = tpu.memref_slice %arg4[%add3A_97, %dma_start3A_100] : memref<204800x128xf32, #tpu.memory_space<hbm>> -> memref<128x128xf32, #tpu.memory_space<hbm>>
      tpu.enqueue_dma source(%arg7 : memref<128x128xf32, #tpu.memory_space<vmem>>) target(%dma_start3A_101 : memref<128x128xf32, #tpu.memory_space<hbm>>) target_semaphore(%arg17 : memref<!tpu.dma_semaphore, #tpu.memory_space<semaphore_mem>>)
      %add3A_102 = arith.constant 3 : i32
      %add3A_103 = arith.addi %add3A_88, %add3A_102 : i32
      %lt3A_104 = arith.constant 50 : i32
      %lt3A_105 = arith.cmpi slt, %add3A_103, %lt3A_104 : i32
      %ge3A_106 = arith.constant 2 : i32
      %ge3A_107 = arith.cmpi sge, %add3A_88, %ge3A_106 : i32
      %and3A_108 = arith.andi %lt3A_105, %ge3A_107 : i1
      %convert_element_type3A_109 = arith.extui %and3A_108 : i1 to i32
      %cond3A_110 = arith.constant 0 : i32
      %cond3A_111 = arith.cmpi ne, %convert_element_type3A_109, %cond3A_110 : i32
      scf.if %cond3A_111 {
        %mul3A_213 = arith.constant 128 : i32
        %mul3A_214 = arith.muli %add3A_103, %mul3A_213 : i32
        %add3A_215 = arith.addi %mul3A_2, %mul3A_214 : i32
        %dma_wait3A_216 = arith.constant 0 : i32
        %dma_wait3A_217 = tpu.memref_slice %arg4[%add3A_215, %dma_wait3A_216] : memref<204800x128xf32, #tpu.memory_space<hbm>> -> memref<128x128xf32, #tpu.memory_space<hbm>>
        %dma_wait3A_218 = arith.constant 0 : i32
        %dma_wait3A_219 = tpu.memref_slice %arg4[%add3A_215, %dma_wait3A_218] : memref<204800x128xf32, #tpu.memory_space<hbm>> -> memref<128x128xf32, #tpu.memory_space<hbm>>
        tpu.wait_dma2 semaphore(%arg20 : memref<!tpu.dma_semaphore, #tpu.memory_space<semaphore_mem>>) src(%arg10 : memref<128x128xf32, #tpu.memory_space<vmem>>) dst(%dma_wait3A_219 : memref<128x128xf32, #tpu.memory_space<hbm>>)
      } else {
      }
      %lt3A_112 = arith.constant 50 : i32
      %lt3A_113 = arith.cmpi slt, %add3A_103, %lt3A_112 : i32
      %convert_element_type3A_114 = arith.extui %lt3A_113 : i1 to i32
      %cond3A_115 = arith.constant 0 : i32
      %cond3A_116 = arith.cmpi ne, %convert_element_type3A_114, %cond3A_115 : i32
      scf.if %cond3A_116 {
        %dma_start3A_213 = arith.constant 0 : i32
        %dma_start3A_214 = tpu.memref_slice %arg5[%add3A_103, %dma_start3A_213] : memref<50x128xi32, #tpu.memory_space<vmem>> -> memref<1x128xi32, #tpu.memory_space<vmem>>
        %dma_start3A_215 = tpu.memref_squeeze %dma_start3A_214 : memref<1x128xi32, #tpu.memory_space<vmem>> -> memref<128xi32, #tpu.memory_space<vmem>>
        %dma_start3A_216 = arith.constant 0 : i32
        %dma_start3A_217 = arith.constant 0 : i32
        %dma_start3A_218 = tpu.memref_slice %arg2[%dma_start3A_216, %dma_start3A_217] : memref<100000x128xf32, #tpu.memory_space<hbm>> -> memref<100000x128xf32, #tpu.memory_space<hbm>>
        tpu.enqueue_indirect_dma source(%dma_start3A_218 : memref<100000x128xf32, #tpu.memory_space<hbm>>) target(%arg10 : memref<128x128xf32, #tpu.memory_space<vmem>>) offsets(%dma_start3A_215 : memref<128xi32, #tpu.memory_space<vmem>>) semaphore(%arg15 : memref<!tpu.dma_semaphore, #tpu.memory_space<semaphore_mem>>)
      } else {
      }
      %mul3A_117 = arith.constant 5 : i32
      %mul3A_118 = arith.muli %mul3A_117, %scan3A_57 : i32
      %add3A_119 = arith.constant 2 : i32
      %add3A_120 = arith.addi %mul3A_118, %add3A_119 : i32
      %dma_wait3A_121 = arith.constant 0 : i32
      %dma_wait3A_122 = tpu.memref_slice %arg5[%add3A_120, %dma_wait3A_121] : memref<50x128xi32, #tpu.memory_space<vmem>> -> memref<1x128xi32, #tpu.memory_space<vmem>>
      %dma_wait3A_123 = tpu.memref_squeeze %dma_wait3A_122 : memref<1x128xi32, #tpu.memory_space<vmem>> -> memref<128xi32, #tpu.memory_space<vmem>>
      %dma_wait3A_124 = arith.constant 0 : i32
      %dma_wait3A_125 = arith.constant 0 : i32
      %dma_wait3A_126 = tpu.memref_slice %arg2[%dma_wait3A_124, %dma_wait3A_125] : memref<100000x128xf32, #tpu.memory_space<hbm>> -> memref<100000x128xf32, #tpu.memory_space<hbm>>
      tpu.wait_indirect_dma semaphore(%arg13 : memref<!tpu.dma_semaphore, #tpu.memory_space<semaphore_mem>>) src(%dma_wait3A_126 : memref<100000x128xf32, #tpu.memory_space<hbm>>) dst(%arg8 : memref<128x128xf32, #tpu.memory_space<vmem>>)
      %mul3A_127 = arith.constant 128 : i32
      %mul3A_128 = arith.muli %add3A_120, %mul3A_127 : i32
      %add3A_129 = arith.addi %mul3A_2, %mul3A_128 : i32
      %dma_start3A_130 = arith.constant 0 : i32
      %dma_start3A_131 = tpu.memref_slice %arg4[%add3A_129, %dma_start3A_130] : memref<204800x128xf32, #tpu.memory_space<hbm>> -> memref<128x128xf32, #tpu.memory_space<hbm>>
      %dma_start3A_132 = arith.constant 0 : i32
      %dma_start3A_133 = tpu.memref_slice %arg4[%add3A_129, %dma_start3A_132] : memref<204800x128xf32, #tpu.memory_space<hbm>> -> memref<128x128xf32, #tpu.memory_space<hbm>>
      tpu.enqueue_dma source(%arg8 : memref<128x128xf32, #tpu.memory_space<vmem>>) target(%dma_start3A_133 : memref<128x128xf32, #tpu.memory_space<hbm>>) target_semaphore(%arg18 : memref<!tpu.dma_semaphore, #tpu.memory_space<semaphore_mem>>)
      %add3A_134 = arith.constant 3 : i32
      %add3A_135 = arith.addi %add3A_120, %add3A_134 : i32
      %lt3A_136 = arith.constant 50 : i32
      %lt3A_137 = arith.cmpi slt, %add3A_135, %lt3A_136 : i32
      %ge3A_138 = arith.constant 2 : i32
      %ge3A_139 = arith.cmpi sge, %add3A_120, %ge3A_138 : i32
      %and3A_140 = arith.andi %lt3A_137, %ge3A_139 : i1
      %convert_element_type3A_141 = arith.extui %and3A_140 : i1 to i32
      %cond3A_142 = arith.constant 0 : i32
      %cond3A_143 = arith.cmpi ne, %convert_element_type3A_141, %cond3A_142 : i32
      scf.if %cond3A_143 {
        %mul3A_213 = arith.constant 128 : i32
        %mul3A_214 = arith.muli %add3A_135, %mul3A_213 : i32
        %add3A_215 = arith.addi %mul3A_2, %mul3A_214 : i32
        %dma_wait3A_216 = arith.constant 0 : i32
        %dma_wait3A_217 = tpu.memref_slice %arg4[%add3A_215, %dma_wait3A_216] : memref<204800x128xf32, #tpu.memory_space<hbm>> -> memref<128x128xf32, #tpu.memory_space<hbm>>
        %dma_wait3A_218 = arith.constant 0 : i32
        %dma_wait3A_219 = tpu.memref_slice %arg4[%add3A_215, %dma_wait3A_218] : memref<204800x128xf32, #tpu.memory_space<hbm>> -> memref<128x128xf32, #tpu.memory_space<hbm>>
        tpu.wait_dma2 semaphore(%arg16 : memref<!tpu.dma_semaphore, #tpu.memory_space<semaphore_mem>>) src(%arg6 : memref<128x128xf32, #tpu.memory_space<vmem>>) dst(%dma_wait3A_219 : memref<128x128xf32, #tpu.memory_space<hbm>>)
      } else {
      }
      %lt3A_144 = arith.constant 50 : i32
      %lt3A_145 = arith.cmpi slt, %add3A_135, %lt3A_144 : i32
      %convert_element_type3A_146 = arith.extui %lt3A_145 : i1 to i32
      %cond3A_147 = arith.constant 0 : i32
      %cond3A_148 = arith.cmpi ne, %convert_element_type3A_146, %cond3A_147 : i32
      scf.if %cond3A_148 {
        %dma_start3A_213 = arith.constant 0 : i32
        %dma_start3A_214 = tpu.memref_slice %arg5[%add3A_135, %dma_start3A_213] : memref<50x128xi32, #tpu.memory_space<vmem>> -> memref<1x128xi32, #tpu.memory_space<vmem>>
        %dma_start3A_215 = tpu.memref_squeeze %dma_start3A_214 : memref<1x128xi32, #tpu.memory_space<vmem>> -> memref<128xi32, #tpu.memory_space<vmem>>
        %dma_start3A_216 = arith.constant 0 : i32
        %dma_start3A_217 = arith.constant 0 : i32
        %dma_start3A_218 = tpu.memref_slice %arg2[%dma_start3A_216, %dma_start3A_217] : memref<100000x128xf32, #tpu.memory_space<hbm>> -> memref<100000x128xf32, #tpu.memory_space<hbm>>
        tpu.enqueue_indirect_dma source(%dma_start3A_218 : memref<100000x128xf32, #tpu.memory_space<hbm>>) target(%arg6 : memref<128x128xf32, #tpu.memory_space<vmem>>) offsets(%dma_start3A_215 : memref<128xi32, #tpu.memory_space<vmem>>) semaphore(%arg11 : memref<!tpu.dma_semaphore, #tpu.memory_space<semaphore_mem>>)
      } else {
      }
      %mul3A_149 = arith.constant 5 : i32
      %mul3A_150 = arith.muli %mul3A_149, %scan3A_57 : i32
      %add3A_151 = arith.constant 3 : i32
      %add3A_152 = arith.addi %mul3A_150, %add3A_151 : i32
      %dma_wait3A_153 = arith.constant 0 : i32
      %dma_wait3A_154 = tpu.memref_slice %arg5[%add3A_152, %dma_wait3A_153] : memref<50x128xi32, #tpu.memory_space<vmem>> -> memref<1x128xi32, #tpu.memory_space<vmem>>
      %dma_wait3A_155 = tpu.memref_squeeze %dma_wait3A_154 : memref<1x128xi32, #tpu.memory_space<vmem>> -> memref<128xi32, #tpu.memory_space<vmem>>
      %dma_wait3A_156 = arith.constant 0 : i32
      %dma_wait3A_157 = arith.constant 0 : i32
      %dma_wait3A_158 = tpu.memref_slice %arg2[%dma_wait3A_156, %dma_wait3A_157] : memref<100000x128xf32, #tpu.memory_space<hbm>> -> memref<100000x128xf32, #tpu.memory_space<hbm>>
      tpu.wait_indirect_dma semaphore(%arg14 : memref<!tpu.dma_semaphore, #tpu.memory_space<semaphore_mem>>) src(%dma_wait3A_158 : memref<100000x128xf32, #tpu.memory_space<hbm>>) dst(%arg9 : memref<128x128xf32, #tpu.memory_space<vmem>>)
      %mul3A_159 = arith.constant 128 : i32
      %mul3A_160 = arith.muli %add3A_152, %mul3A_159 : i32
      %add3A_161 = arith.addi %mul3A_2, %mul3A_160 : i32
      %dma_start3A_162 = arith.constant 0 : i32
      %dma_start3A_163 = tpu.memref_slice %arg4[%add3A_161, %dma_start3A_162] : memref<204800x128xf32, #tpu.memory_space<hbm>> -> memref<128x128xf32, #tpu.memory_space<hbm>>
      %dma_start3A_164 = arith.constant 0 : i32
      %dma_start3A_165 = tpu.memref_slice %arg4[%add3A_161, %dma_start3A_164] : memref<204800x128xf32, #tpu.memory_space<hbm>> -> memref<128x128xf32, #tpu.memory_space<hbm>>
      tpu.enqueue_dma source(%arg9 : memref<128x128xf32, #tpu.memory_space<vmem>>) target(%dma_start3A_165 : memref<128x128xf32, #tpu.memory_space<hbm>>) target_semaphore(%arg19 : memref<!tpu.dma_semaphore, #tpu.memory_space<semaphore_mem>>)
      %add3A_166 = arith.constant 3 : i32
      %add3A_167 = arith.addi %add3A_152, %add3A_166 : i32
      %lt3A_168 = arith.constant 50 : i32
      %lt3A_169 = arith.cmpi slt, %add3A_167, %lt3A_168 : i32
      %ge3A_170 = arith.constant 2 : i32
      %ge3A_171 = arith.cmpi sge, %add3A_152, %ge3A_170 : i32
      %and3A_172 = arith.andi %lt3A_169, %ge3A_171 : i1
      %convert_element_type3A_173 = arith.extui %and3A_172 : i1 to i32
      %cond3A_174 = arith.constant 0 : i32
      %cond3A_175 = arith.cmpi ne, %convert_element_type3A_173, %cond3A_174 : i32
      scf.if %cond3A_175 {
        %mul3A_213 = arith.constant 128 : i32
        %mul3A_214 = arith.muli %add3A_167, %mul3A_213 : i32
        %add3A_215 = arith.addi %mul3A_2, %mul3A_214 : i32
        %dma_wait3A_216 = arith.constant 0 : i32
        %dma_wait3A_217 = tpu.memref_slice %arg4[%add3A_215, %dma_wait3A_216] : memref<204800x128xf32, #tpu.memory_space<hbm>> -> memref<128x128xf32, #tpu.memory_space<hbm>>
        %dma_wait3A_218 = arith.constant 0 : i32
        %dma_wait3A_219 = tpu.memref_slice %arg4[%add3A_215, %dma_wait3A_218] : memref<204800x128xf32, #tpu.memory_space<hbm>> -> memref<128x128xf32, #tpu.memory_space<hbm>>
        tpu.wait_dma2 semaphore(%arg17 : memref<!tpu.dma_semaphore, #tpu.memory_space<semaphore_mem>>) src(%arg7 : memref<128x128xf32, #tpu.memory_space<vmem>>) dst(%dma_wait3A_219 : memref<128x128xf32, #tpu.memory_space<hbm>>)
      } else {
      }
      %lt3A_176 = arith.constant 50 : i32
      %lt3A_177 = arith.cmpi slt, %add3A_167, %lt3A_176 : i32
      %convert_element_type3A_178 = arith.extui %lt3A_177 : i1 to i32
      %cond3A_179 = arith.constant 0 : i32
      %cond3A_180 = arith.cmpi ne, %convert_element_type3A_178, %cond3A_179 : i32
      scf.if %cond3A_180 {
        %dma_start3A_213 = arith.constant 0 : i32
        %dma_start3A_214 = tpu.memref_slice %arg5[%add3A_167, %dma_start3A_213] : memref<50x128xi32, #tpu.memory_space<vmem>> -> memref<1x128xi32, #tpu.memory_space<vmem>>
        %dma_start3A_215 = tpu.memref_squeeze %dma_start3A_214 : memref<1x128xi32, #tpu.memory_space<vmem>> -> memref<128xi32, #tpu.memory_space<vmem>>
        %dma_start3A_216 = arith.constant 0 : i32
        %dma_start3A_217 = arith.constant 0 : i32
        %dma_start3A_218 = tpu.memref_slice %arg2[%dma_start3A_216, %dma_start3A_217] : memref<100000x128xf32, #tpu.memory_space<hbm>> -> memref<100000x128xf32, #tpu.memory_space<hbm>>
        tpu.enqueue_indirect_dma source(%dma_start3A_218 : memref<100000x128xf32, #tpu.memory_space<hbm>>) target(%arg7 : memref<128x128xf32, #tpu.memory_space<vmem>>) offsets(%dma_start3A_215 : memref<128xi32, #tpu.memory_space<vmem>>) semaphore(%arg12 : memref<!tpu.dma_semaphore, #tpu.memory_space<semaphore_mem>>)
      } else {
      }
      %mul3A_181 = arith.constant 5 : i32
      %mul3A_182 = arith.muli %mul3A_181, %scan3A_57 : i32
      %add3A_183 = arith.constant 4 : i32
      %add3A_184 = arith.addi %mul3A_182, %add3A_183 : i32
      %dma_wait3A_185 = arith.constant 0 : i32
      %dma_wait3A_186 = tpu.memref_slice %arg5[%add3A_184, %dma_wait3A_185] : memref<50x128xi32, #tpu.memory_space<vmem>> -> memref<1x128xi32, #tpu.memory_space<vmem>>
      %dma_wait3A_187 = tpu.memref_squeeze %dma_wait3A_186 : memref<1x128xi32, #tpu.memory_space<vmem>> -> memref<128xi32, #tpu.memory_space<vmem>>
      %dma_wait3A_188 = arith.constant 0 : i32
      %dma_wait3A_189 = arith.constant 0 : i32
      %dma_wait3A_190 = tpu.memref_slice %arg2[%dma_wait3A_188, %dma_wait3A_189] : memref<100000x128xf32, #tpu.memory_space<hbm>> -> memref<100000x128xf32, #tpu.memory_space<hbm>>
      tpu.wait_indirect_dma semaphore(%arg15 : memref<!tpu.dma_semaphore, #tpu.memory_space<semaphore_mem>>) src(%dma_wait3A_190 : memref<100000x128xf32, #tpu.memory_space<hbm>>) dst(%arg10 : memref<128x128xf32, #tpu.memory_space<vmem>>)
      %mul3A_191 = arith.constant 128 : i32
      %mul3A_192 = arith.muli %add3A_184, %mul3A_191 : i32
      %add3A_193 = arith.addi %mul3A_2, %mul3A_192 : i32
      %dma_start3A_194 = arith.constant 0 : i32
      %dma_start3A_195 = tpu.memref_slice %arg4[%add3A_193, %dma_start3A_194] : memref<204800x128xf32, #tpu.memory_space<hbm>> -> memref<128x128xf32, #tpu.memory_space<hbm>>
      %dma_start3A_196 = arith.constant 0 : i32
      %dma_start3A_197 = tpu.memref_slice %arg4[%add3A_193, %dma_start3A_196] : memref<204800x128xf32, #tpu.memory_space<hbm>> -> memref<128x128xf32, #tpu.memory_space<hbm>>
      tpu.enqueue_dma source(%arg10 : memref<128x128xf32, #tpu.memory_space<vmem>>) target(%dma_start3A_197 : memref<128x128xf32, #tpu.memory_space<hbm>>) target_semaphore(%arg20 : memref<!tpu.dma_semaphore, #tpu.memory_space<semaphore_mem>>)
      %add3A_198 = arith.constant 3 : i32
      %add3A_199 = arith.addi %add3A_184, %add3A_198 : i32
      %lt3A_200 = arith.constant 50 : i32
      %lt3A_201 = arith.cmpi slt, %add3A_199, %lt3A_200 : i32
      %ge3A_202 = arith.constant 2 : i32
      %ge3A_203 = arith.cmpi sge, %add3A_184, %ge3A_202 : i32
      %and3A_204 = arith.andi %lt3A_201, %ge3A_203 : i1
      %convert_element_type3A_205 = arith.extui %and3A_204 : i1 to i32
      %cond3A_206 = arith.constant 0 : i32
      %cond3A_207 = arith.cmpi ne, %convert_element_type3A_205, %cond3A_206 : i32
      scf.if %cond3A_207 {
        %mul3A_213 = arith.constant 128 : i32
        %mul3A_214 = arith.muli %add3A_199, %mul3A_213 : i32
        %add3A_215 = arith.addi %mul3A_2, %mul3A_214 : i32
        %dma_wait3A_216 = arith.constant 0 : i32
        %dma_wait3A_217 = tpu.memref_slice %arg4[%add3A_215, %dma_wait3A_216] : memref<204800x128xf32, #tpu.memory_space<hbm>> -> memref<128x128xf32, #tpu.memory_space<hbm>>
        %dma_wait3A_218 = arith.constant 0 : i32
        %dma_wait3A_219 = tpu.memref_slice %arg4[%add3A_215, %dma_wait3A_218] : memref<204800x128xf32, #tpu.memory_space<hbm>> -> memref<128x128xf32, #tpu.memory_space<hbm>>
        tpu.wait_dma2 semaphore(%arg18 : memref<!tpu.dma_semaphore, #tpu.memory_space<semaphore_mem>>) src(%arg8 : memref<128x128xf32, #tpu.memory_space<vmem>>) dst(%dma_wait3A_219 : memref<128x128xf32, #tpu.memory_space<hbm>>)
      } else {
      }
      %lt3A_208 = arith.constant 50 : i32
      %lt3A_209 = arith.cmpi slt, %add3A_199, %lt3A_208 : i32
      %convert_element_type3A_210 = arith.extui %lt3A_209 : i1 to i32
      %cond3A_211 = arith.constant 0 : i32
      %cond3A_212 = arith.cmpi ne, %convert_element_type3A_210, %cond3A_211 : i32
      scf.if %cond3A_212 {
        %dma_start3A_213 = arith.constant 0 : i32
        %dma_start3A_214 = tpu.memref_slice %arg5[%add3A_199, %dma_start3A_213] : memref<50x128xi32, #tpu.memory_space<vmem>> -> memref<1x128xi32, #tpu.memory_space<vmem>>
        %dma_start3A_215 = tpu.memref_squeeze %dma_start3A_214 : memref<1x128xi32, #tpu.memory_space<vmem>> -> memref<128xi32, #tpu.memory_space<vmem>>
        %dma_start3A_216 = arith.constant 0 : i32
        %dma_start3A_217 = arith.constant 0 : i32
        %dma_start3A_218 = tpu.memref_slice %arg2[%dma_start3A_216, %dma_start3A_217] : memref<100000x128xf32, #tpu.memory_space<hbm>> -> memref<100000x128xf32, #tpu.memory_space<hbm>>
        tpu.enqueue_indirect_dma source(%dma_start3A_218 : memref<100000x128xf32, #tpu.memory_space<hbm>>) target(%arg8 : memref<128x128xf32, #tpu.memory_space<vmem>>) offsets(%dma_start3A_215 : memref<128xi32, #tpu.memory_space<vmem>>) semaphore(%arg13 : memref<!tpu.dma_semaphore, #tpu.memory_space<semaphore_mem>>)
      } else {
      }
    }
    %scan3A_27 = arith.constant 10 : i32
    %add3A_28 = arith.constant 0 : i32
    %add3A_29 = arith.addi %mul3A_2, %add3A_28 : i32
    %dma_wait3A = arith.constant 0 : i32
    %dma_wait3A_30 = tpu.memref_slice %arg4[%add3A_29, %dma_wait3A] : memref<204800x128xf32, #tpu.memory_space<hbm>> -> memref<128x128xf32, #tpu.memory_space<hbm>>
    %dma_wait3A_31 = arith.constant 0 : i32
    %dma_wait3A_32 = tpu.memref_slice %arg4[%add3A_29, %dma_wait3A_31] : memref<204800x128xf32, #tpu.memory_space<hbm>> -> memref<128x128xf32, #tpu.memory_space<hbm>>
    tpu.wait_dma2 semaphore(%arg16 : memref<!tpu.dma_semaphore, #tpu.memory_space<semaphore_mem>>) src(%arg6 : memref<128x128xf32, #tpu.memory_space<vmem>>) dst(%dma_wait3A_32 : memref<128x128xf32, #tpu.memory_space<hbm>>)
    %add3A_33 = arith.constant 0 : i32
    %add3A_34 = arith.addi %mul3A_2, %add3A_33 : i32
    %dma_wait3A_35 = arith.constant 0 : i32
    %dma_wait3A_36 = tpu.memref_slice %arg4[%add3A_34, %dma_wait3A_35] : memref<204800x128xf32, #tpu.memory_space<hbm>> -> memref<128x128xf32, #tpu.memory_space<hbm>>
    %dma_wait3A_37 = arith.constant 0 : i32
    %dma_wait3A_38 = tpu.memref_slice %arg4[%add3A_34, %dma_wait3A_37] : memref<204800x128xf32, #tpu.memory_space<hbm>> -> memref<128x128xf32, #tpu.memory_space<hbm>>
    tpu.wait_dma2 semaphore(%arg17 : memref<!tpu.dma_semaphore, #tpu.memory_space<semaphore_mem>>) src(%arg7 : memref<128x128xf32, #tpu.memory_space<vmem>>) dst(%dma_wait3A_38 : memref<128x128xf32, #tpu.memory_space<hbm>>)
    %add3A_39 = arith.constant 0 : i32
    %add3A_40 = arith.addi %mul3A_2, %add3A_39 : i32
    %dma_wait3A_41 = arith.constant 0 : i32
    %dma_wait3A_42 = tpu.memref_slice %arg4[%add3A_40, %dma_wait3A_41] : memref<204800x128xf32, #tpu.memory_space<hbm>> -> memref<128x128xf32, #tpu.memory_space<hbm>>
    %dma_wait3A_43 = arith.constant 0 : i32
    %dma_wait3A_44 = tpu.memref_slice %arg4[%add3A_40, %dma_wait3A_43] : memref<204800x128xf32, #tpu.memory_space<hbm>> -> memref<128x128xf32, #tpu.memory_space<hbm>>
    tpu.wait_dma2 semaphore(%arg18 : memref<!tpu.dma_semaphore, #tpu.memory_space<semaphore_mem>>) src(%arg8 : memref<128x128xf32, #tpu.memory_space<vmem>>) dst(%dma_wait3A_44 : memref<128x128xf32, #tpu.memory_space<hbm>>)
    %add3A_45 = arith.constant 0 : i32
    %add3A_46 = arith.addi %mul3A_2, %add3A_45 : i32
    %dma_wait3A_47 = arith.constant 0 : i32
    %dma_wait3A_48 = tpu.memref_slice %arg4[%add3A_46, %dma_wait3A_47] : memref<204800x128xf32, #tpu.memory_space<hbm>> -> memref<128x128xf32, #tpu.memory_space<hbm>>
    %dma_wait3A_49 = arith.constant 0 : i32
    %dma_wait3A_50 = tpu.memref_slice %arg4[%add3A_46, %dma_wait3A_49] : memref<204800x128xf32, #tpu.memory_space<hbm>> -> memref<128x128xf32, #tpu.memory_space<hbm>>
    tpu.wait_dma2 semaphore(%arg19 : memref<!tpu.dma_semaphore, #tpu.memory_space<semaphore_mem>>) src(%arg9 : memref<128x128xf32, #tpu.memory_space<vmem>>) dst(%dma_wait3A_50 : memref<128x128xf32, #tpu.memory_space<hbm>>)
    %add3A_51 = arith.constant 0 : i32
    %add3A_52 = arith.addi %mul3A_2, %add3A_51 : i32
    %dma_wait3A_53 = arith.constant 0 : i32
    %dma_wait3A_54 = tpu.memref_slice %arg4[%add3A_52, %dma_wait3A_53] : memref<204800x128xf32, #tpu.memory_space<hbm>> -> memref<128x128xf32, #tpu.memory_space<hbm>>
    %dma_wait3A_55 = arith.constant 0 : i32
    %dma_wait3A_56 = tpu.memref_slice %arg4[%add3A_52, %dma_wait3A_55] : memref<204800x128xf32, #tpu.memory_space<hbm>> -> memref<128x128xf32, #tpu.memory_space<hbm>>
    tpu.wait_dma2 semaphore(%arg20 : memref<!tpu.dma_semaphore, #tpu.memory_space<semaphore_mem>>) src(%arg10 : memref<128x128xf32, #tpu.memory_space<vmem>>) dst(%dma_wait3A_56 : memref<128x128xf32, #tpu.memory_space<hbm>>)
    return
  }
}

module attributes {stable_mosaic.version = 14 : i64} {
  func.func @mm(%arg0: memref<4096x128xf32, #tpu.memory_space<vmem>>, %arg1: memref<128x128xf32, #tpu.memory_space<vmem>>, %arg2: memref<4096x128xf32, #tpu.memory_space<vmem>>) attributes {dimension_semantics = [], scalar_prefetch = 0 : i64, scratch_operands = 0 : i64, tpu.core_type = #tpu.core_type<tc>} {
    %get3A = arith.constant 0 : index
    %get3A_0 = arith.constant 0 : index
    %get3A_1 = vector.load %arg0[%get3A, %get3A_0] : memref<4096x128xf32, #tpu.memory_space<vmem>>, vector<4096x128xf32>
    %get3A_2 = arith.constant 0 : index
    %get3A_3 = arith.constant 0 : index
    %get3A_4 = vector.load %arg1[%get3A_2, %get3A_3] : memref<128x128xf32, #tpu.memory_space<vmem>>, vector<128x128xf32>
    %dot_general3A = arith.constant dense<0.000000e+00> : vector<4096x128xf32>
    %dot_general3A_5 = tpu.matmul %get3A_1, %get3A_4, %dot_general3A {dimension_numbers = #tpu.dot_dimension_numbers<[1], [1], [0], [0], [0, 0, 1, 0], [], []>, transpose_lhs_hint = false} : vector<4096x128xf32>, vector<128x128xf32>, vector<4096x128xf32> -> vector<4096x128xf32>
    %swap3A = arith.constant 0 : index
    %swap3A_6 = arith.constant 0 : index
    %swap3A_7 = vector.load %arg2[%swap3A, %swap3A_6] : memref<4096x128xf32, #tpu.memory_space<vmem>>, vector<4096x128xf32>
    tpu.vector_store %arg2[%swap3A, %swap3A_6], %dot_general3A_5 {strides = array<i32>} : memref<4096x128xf32, #tpu.memory_space<vmem>>, vector<4096x128xf32>,
    return
  }
}

</mosaic_0001>

<sc_bundles>
// kernel: kernel.4.cloned.1.call-start
scs
__scs_entry_jumppad:
0x0: {  	(pc) =	sbr.rel $0x88, $3  }
0x1: {  	(tag) =	ssettag $0x0;
	lr =	simm.s32 $0x1  }
0x2: {  	[smem:$0x3F9D] =	sst lr;
	_ =	strace $0xD0000000  }
0x3: {  	_ = 	snop  }
0x4: {  	_ = 	snop  }
0x5: {  	_ = 	snop  }
0x6: {  	_ = 	snop  }
0x7: {  	_ = 	snop  }
__scs_overlays_trampoline_lowered:
0x8: {  	[smem:$0x3FAC] =	sst s0  }
0x9: {  	[smem:$0x3FAD] =	sst s1  }
0xa: {  	[smem:$0x3FAE] =	sst s2  }
0xb: {  	[smem:$0x3FAF] =	sst s3  }
0xc: {  	[smem:$0x3FB0] =	sst s4  }
0xd: {  	[smem:$0x3FB1] =	sst s5  }
0xe: {  	[smem:$0x3FB2] =	sst s6  }
0xf: {  	[smem:$0x3FB3] =	sst s7  }
0x10: {  	[smem:$0x3FB4] =	sst s8  }
0x11: {  	[smem:$0x3FB5] =	sst s9;
	s0 =	simm.s32 @!p0 $0x0  }
0x12: {  	s1 =	sld [smem:$0x3F9B];
	s0 =	simm.s32 @p0 $0x1  }
0x13: {  	[smem:$0x3FB6] =	sst s0;
	s0 =	simm.s32 @!p1 $0x0  }
0x14: {  	s2 =	sld [smem:$0x3F9A];
	s0 =	simm.s32 @p1 $0x1  }
0x15: {  	[smem:$0x3FB7] =	sst s0;
	s0 =	simm.s32 @!p2 $0x0  }
0x16: {  	s3 =	sld [smem:$0x3FDB];
	s0 =	simm.s32 @p2 $0x1  }
0x17: {  	s4 =	simm.s32 $0x1BF5;
	[smem:$0x3FB9] =	sst s0  }
0x18: {  	s0 =	sld [smem:$0x3F9C];
	_ =	swait.ge [sflag:s4], $0x0  }
0x19: {  	s7 =	sld [smem:$0x3F9D]  }
0x1a: {  	s8 =	sadd.s32 $0xFFFFE003, lr  }
0x1b: {  	s9 =	sadd.s32 $0xFFFFFEF7, lr;
	s5 =	simm.s32 $0xFFFFFFFF;
	p2 =	slt.u32 s8, $0xFFFFF086  }
0x1c: {  	p1 =	slt.u32 s9, $0xF7A;
	s5 =	simm.s32 @!p2 $0x0  }
0x1d: {  	s5 =	simm.s32 @p1 $0x1;
	p0 =	seq.s32 s7, s2  }
0x1e: {  	s7 =	smul.u32 @!p0 $0xF7A, s2;
	p2 =	seq.s32 @!p0 s5, $0x0  }
0x1f: {  	s9 =	smul.u32 $0xF7A, s1;
	s8 =	simm.s32 @!p0 $0x1BF5;
	p2 =	por !p2, p0  }
0x20: {  	[sflag:s8] =	ssyncset.s32 @!p0 $0xFFFFF086;
	s6 =	sadd.s32 @!p0 s3, s7;
	s7 =	simm.s32 @!p0 $0x108  }
0x21: {  	s3 =	sadd.s32 s3, s9;
	s6 =	sadd.s32 @!p0 $0x88, s6;
	s7 =	simm.s32 @p2 $0x1082  }
0x22: {  	[simem:s7], [sflag:s8] =	dma.local @!p0 [hbm:s6], $0xF7A  }
0x23: {  	s9 =	sor.u32 $0xD0000000, s2;
	s6 =	simm.s32 $0x108;
	_ =	swait.ge @!p0 [sflag:s8], $0x0  }
0x24: {  	s3 =	sadd.s32 $0x88, s3;
	s6 =	simm.s32 @!p1 $0x1082;
	[sflag:s4] =	ssyncset.s32 $0xFFFFF086  }
0x25: {  	[simem:s6], [sflag:s4] =	dma.local [hbm:s3], $0xF7A  }
0x26: {  	[smem:$0x3F9D] =	sst s1;
	(tag) =	ssettag s2;
	_ =	strace s9  }
0x27: {  	s1 =	sld [smem:$0x3FAD]  }
0x28: {  	s2 =	sld [smem:$0x3FAE]  }
0x29: {  	s4 =	sld [smem:$0x3FB0]  }
0x2a: {  	p0 =	seq.s32 s5, $0x0;
	s5 =	sld [smem:$0x3FB1]  }
0x2b: {  	s6 =	sld [smem:$0x3FB2]  }
0x2c: {  	s7 =	sld [smem:$0x3FB3]  }
0x2d: {  	s3 =	simm.s32 $0x108;
	s8 =	sld [smem:$0x3FB4]  }
0x2e: {  	s3 =	simm.s32 @!p0 $0x1082;
	s9 =	sld [smem:$0x3FB5]  }
0x2f: {  	lr =	sadd.s32 s0, s3;
	s0 =	sld [smem:$0x3FAC]  }
0x30: {  	s3 =	sld [smem:$0x3FAF]  }
0x31: {  	[smem:$0x3FB8] =	sst s10  }
0x32: {  	s10 =	sld [smem:$0x3FB6];
	_ =	sdelay $0x3  }
0x33: {  	p0 =	seq.s32 s10, $0x1;
	s10 =	sld [smem:$0x3FB8];
	_ =	sdelay $0x3  }
0x34: {  	[smem:$0x3FB8] =	sst s10  }
0x35: {  	s10 =	sld [smem:$0x3FB7];
	_ =	sdelay $0x3  }
0x36: {  	p1 =	seq.s32 s10, $0x1;
	s10 =	sld [smem:$0x3FB8];
	_ =	sdelay $0x3  }
0x37: {  	[smem:$0x3FB8] =	sst s10  }
0x38: {  	s10 =	sld [smem:$0x3FB9]  }
0x39: {  	_ = 	snop;
	(pc) =	sbr.ind lr, $3  }
0x3a: {  	_ = 	snop  }
0x3b: {  	_ = 	snop  }
0x3c: {  	p2 =	seq.s32 s10, $0x1;
	s10 =	sld [smem:$0x3FB8]  }
0x3d: {  	_ =	shalt  }
0x3e: {  	_ =	shalt  }
0x3f: {  	_ =	shalt  }
0x40: {  	_ =	shalt  }
0x41: {  	_ =	shalt  }
0x42: {  	_ =	shalt  }
0x43: {  	_ =	shalt  }
0x44: {  	_ =	shalt  }
0x45: {  	_ =	shalt  }
0x46: {  	_ =	shalt  }
0x47: {  	_ =	shalt  }
0x48: {  	_ =	shalt  }
0x49: {  	_ =	shalt  }
0x4a: {  	_ =	shalt  }
0x4b: {  	_ =	shalt  }
0x4c: {  	_ =	shalt  }
0x4d: {  	_ =	shalt  }
0x4e: {  	_ =	shalt  }
0x4f: {  	_ =	shalt  }
0x50: {  	_ =	shalt  }
0x51: {  	_ =	shalt  }
0x52: {  	_ =	shalt  }
0x53: {  	_ =	shalt  }
0x54: {  	_ =	shalt  }
0x55: {  	_ =	shalt  }
0x56: {  	_ =	shalt  }
0x57: {  	_ =	shalt  }
0x58: {  	_ =	shalt  }
0x59: {  	_ =	shalt  }
0x5a: {  	_ =	shalt  }
0x5b: {  	_ =	shalt  }
0x5c: {  	_ =	shalt  }
0x5d: {  	_ =	shalt  }
0x5e: {  	_ =	shalt  }
0x5f: {  	_ =	shalt  }
0x60: {  	_ =	shalt  }
0x61: {  	_ =	shalt  }
0x62: {  	_ =	shalt  }
0x63: {  	_ =	shalt  }
0x64: {  	_ =	shalt  }
0x65: {  	_ =	shalt  }
0x66: {  	_ =	shalt  }
0x67: {  	_ =	shalt  }
0x68: {  	_ =	shalt  }
0x69: {  	_ =	shalt  }
0x6a: {  	_ =	shalt  }
0x6b: {  	_ =	shalt  }
0x6c: {  	_ =	shalt  }
0x6d: {  	_ =	shalt  }
0x6e: {  	_ =	shalt  }
0x6f: {  	_ =	shalt  }
0x70: {  	_ =	shalt  }
0x71: {  	_ =	shalt  }
0x72: {  	_ =	shalt  }
0x73: {  	_ =	shalt  }
0x74: {  	_ =	shalt  }
0x75: {  	_ =	shalt  }
0x76: {  	_ =	shalt  }
0x77: {  	_ =	shalt  }
0x78: {  	_ =	shalt  }
0x79: {  	_ =	shalt  }
0x7a: {  	_ =	shalt  }
0x7b: {  	_ =	shalt  }
0x7c: {  	_ =	shalt  }
0x7d: {  	_ =	shalt  }
0x7e: {  	_ =	shalt  }
0x7f: {  	_ =	shalt  }
0x80: {  	_ =	shalt  }
0x81: {  	_ =	shalt  }
0x82: {  	_ =	shalt  }
0x83: {  	_ =	shalt  }
0x84: {  	_ =	shalt  }
0x85: {  	_ =	shalt  }
0x86: {  	_ =	shalt  }
0x87: {  	_ =	shalt  }
.Lfunc_end0:
.L_simem_size_0:
called_computation_lowered:
.L_overlay_start_0:
0x88: {  	s2 =	sld [smem:$0x3FD9]  }
0x89: {  	s3 =	sld [smem:$0x3FFE];
	_ =	sdelay $0x1  }
0x8a: {  	s1 =	srdreg.scid  }
0x8b: {  	s0 =	sand.u32 $0x1, s1  }
0x8c: {  	s14 =	sshll.u32 s0, $0xA;
	s2 =	sadd.s32 s3, s2  }
0x8d: {  	s2 =	sadd.s32 s2, s14  }
0x8e: {  	[smem:$0x3FC4] =	sst s2  }
0x8f: {  	_ = 	snop  }
0x90: {  	s2 =	sld [smem:$0x3FD0];
	_ =	sdelay $0x2  }
0x91: {  	s4 =	simm.s32 $0xA;
	s5 =	simm.s32 $0x10;
	s15 =	sld [smem:$0x3FC7]  }
0x92: {  	[smem:s5], [sflag:s4] =	dma.local [hbm:s2], $0x1  }
0x93: {  	_ =	swait.eq [sflag:s4], $0x1  }
0x94: {  	[sflag:s4] =	ssyncset.done $0x0  }
0x95: {  	[sflag:s4] =	ssyncadd.s32 $0xFFFFFFFF  }
0x96: {  	s16 =	sld [smem:$0x10];
	(tm) =	ssettm $0x1  }
0x97: {  	s17 =	sld [smem:$0x3FFB];
	_ =	sdelay $0x3  }
0x98: {  	_ =	strace s17  }
0x99: {  	s4 =	sld [smem:$0x3FFC];
	_ =	sdelay $0x3  }
0x9a: {  	_ =	strace s4  }
0x9b: {  	s4 =	sld [smem:$0x3FFD];
	_ =	sdelay $0x3  }
0x9c: {  	_ =	strace s4  }
0x9d: {  	_ =	strace $0x8FFFFFFF  }
0x9e: {  	s18 =	sld [smem:$0x3FDB];
	_ =	sdelay $0x1  }
0x9f: {  	s19 =	simm.s32 $_scs_section_size  }
0xa0: {  	s6 =	simm.s32 $_size__tile_overlayer_lowered;
	s7 =	simm.s32 $_tile_overlayer_lowered  }
0xa1: {  	s22 =	simm.s32 $0x1BFF;
	s21 =	sshll.u32 s7, $0x1;
	s4 =	sadd.s32 s19, s18  }
0xa2: {  	s8 =	simm.s32 $0x0;
	s20 =	sshll.u32 s6, $0x1;
	s6 =	sadd.s32 s21, s4  }
0xa3: {  	[timem:s8], [sflag:s22] =	dma.local [hbm:s6], s20  }
0xa4: {  	_ =	swait.ge [sflag:s22], s20  }
0xa5: {  	s5 =	ssub.s32 $0x0, s20;
	[sflag:s22] =	ssyncset.done $0x0  }
0xa6: {  	[sflag:s22] =	ssyncadd.s32 s5;
	_ =	sdelay $0x1  }
0xa7: {  	s23 =	simm.s32 $0x1B8B  }
0xa8: {  	_ =	swait.ge [sflag:s23], $0x1  }
0xa9: {  	[sflag:s23] =	ssyncset.done $0x0  }
0xaa: {  	s25 =	simm.s32 $0x1B8E;
	s24 =	sld [smem:$0x3FFE];
	[sflag:s23] =	ssyncadd.s32 $0xFFFFFFFF  }
0xab: {  	s26 =	simm.s32 $execute0_lowered;
	[smem:$0x3FD2] =	sst s25  }
0xac: {  	s6 =	sshll.u32 s26, $0x1;
	_ =	strace $0x80000046;
	[dreg:$0x1] =	wrdreg $0xFFFFFFFF  }
0xad: {  	s28 =	simm.s32 $_size_execute0_lowered;
	s4 =	sadd.s32 s4, s6;
	[dreg:$0x0] =	wrdreg $0x0  }
0xae: {  	s6 =	sshll.u32 s28, $0x1;
	[dreg:$0x2] =	wrdreg s4  }
0xaf: {  	[dreg:$0x3] =	wrdreg s6  }
0xb0: {  	[dreg:$0x4] =	wrdreg $0xC0  }
0xb1: {  	_ =	task [dreg:s8], $0x5FFFF  }
0xb2: {  	[dreg:$0x1] =	wrdreg $0xFFFFFFFF  }
0xb3: {  	[dreg:$0x0] =	wrdreg $0x60  }
0xb4: {  	[dreg:$0x2] =	wrdreg s15  }
0xb5: {  	[dreg:$0x3] =	wrdreg s24  }
0xb6: {  	[dreg:$0x4] =	wrdreg s16  }
0xb7: {  	[dreg:$0x5] =	wrdreg $0x9  }
0xb8: {  	_ =	task.clear_ibuf [dreg:s8], $0x6FFFF;
	_ =	strace $0x90000046  }
0xb9: {  	s29 =	simm.s32 $0x9;
	_ =	strace $0x80000048  }
0xba: {  	_ =	swait.ge [sflag:s29], $0x1  }
0xbb: {  	[sflag:s29] =	ssyncadd.s32 $0xFFFFFFFF  }
0xbc: {  	_ =	strace $0x90000048  }
0xbd: {  	_ =	sfence  }
0xbe: {  	s30 =	sld [smem:$0x0];
	_ =	sdelay $0x2  }
0xbf: {  	s31 =	sshll.u32 s1, $0xD;
	s1 =	sshrl.u32 s1, $0x2  }
0xc0: {  	s3 =	sand.u32 $0x4000, s31;
	s1 =	sadd.s32 s1, s30  }
0xc1: {  	s0 =	sor.u32 s3, s0;
	s1 =	sshll.u32 s1, $0x11  }
0xc2: {  	s0 =	sor.u32 s1, s0  }
0xc3: {  	s0 =	sadd.s32 $0x8F2B, s0  }
0xc4: {  	[sflag:s0] =	ssyncadd.remote.s32 $0x1  }
0xc5: {  	_ =	sfence.sel $0xFFFF  }
0xc6: {  	[dreg:$0x0] =	wrdreg $0xFFFFFFFF;
	(pc) =	sbr.abs _section_cstart, $3  }
0xc7: {  	[dreg:$0x1] =	wrdreg $0xFFFFFFFF  }
0xc8: {  	_ =	task.clear_ibuf [dreg:s8], $0x2FFFF;
	_ =	strace $0x9FFFFFFF  }
0xc9: {  	(tm) =	ssettm $0x7FFFFFFF  }
tec
execute0_lowered:
.L_overlay_start_1:
0x0: {  	(tag) =	ssettag $0x1  }
0x1: {  	s1 =	rddreg [dreg:$0x0]  }
0x2: {  	s0 =	srdreg.scid;
	s4 =	rddreg [dreg:$0x1]  }
0x3: {  	s9 =	stileid.u32;
	s5 =	rddreg [dreg:$0x2];
	s3 =	simm.s32 $0x0  }
0x4: {  	s11 =	simm.s32 $0xB;
	s12 =	simm.s32 $0x80;
	s13 =	simm.s32 $0x1C00  }
0x5: {  	s14 =	simm.s32 $0x5C00;
	s16 =	simm.s32 $0x9C00;
	s17 =	simm.s32 $0x1  }
0x6: {  	s28 =	simm.s32 $0x9;
	s29 =	simm.s32 $0xA;
	s6 =	smul.u32 $0x190000, s9  }
0x7: {  	s30 =	simm.s32 $0x0;
	s0 =	sand.u32 $0x1, s0;
	s19 =	smul.u32 $0x32000, s9  }
0x8: {  	s2 =	sshll.u32 s9, $0x1;
	[smem:$0x7FF] =	sst s3;
	s8 =	smul.u32 $0xC8000, s0  }
0x9: {  	s2 =	sor.u32 s0, s2;
	s7 =	ssub.s32 $0x2, s0;
	s0 =	smul.u32 $0x19000, s0  }
0xa: {  	_ =	strace $0x80000047;
	s2 =	smul.u32 $0x380, s2;
	s18 =	sshrl.u32 s7, $0x1  }
0xb: {  	s21 =	sadd.s32 s19, s5;
	s19 =	simm.s32 $0x2;
	s6 =	sadd.s32 s8, s6  }
0xc: {  	s0 =	sadd.s32 s0, s21;
	s21 =	simm.s32 $0x3;
	s2 =	sadd.s32 s2, s4  }
0xd: {  	s4 =	ssub.s32 s7, s18;
	s20 =	sadd.s32 $0x10000, s6;
	[dreg:$0x6] =	wrdreg s0  }
0xe: {  	s23 =	sadd.s32 $0xC000, s6;
	s24 =	sadd.s32 $0x8000, s6;
	s25 =	sor.u32 $0x4000, s6  }
0xf: {  	s18 =	simm.s32 $0xDC00;
	s2 =	sadd.s32 $0x800, s2;
	s4 =	smax.u32 s4, $0x1  }
0x10: {  	s0 =	sshrl.u32 s23, $0x3;
	s23 =	simm.s32 $0x5;
	[dreg:$0x4] =	wrdreg s2  }
0x11: {  	[dreg:$0x5] =	wrdreg s4;
	s2 =	sshrl.u32 s20, $0x3;
	s0 =	sadd.s32 s0, s5  }
.Ltmp0:
0x12: {  	s4 =	sshrl.u32 s25, $0x3;
	s20 =	simm.s32 $0x11C00;
	(pc) =	sbr.rel .LBB2_1-.Ltmp0, $4  }
0x13: {  	s25 =	simm.s32 $0x7;
	s22 =	sadd.s32 s2, s5;
	[dreg:$0x8] =	wrdreg s0  }
0x14: {  	s2 =	sshrl.u32 s24, $0x3;
	s31 =	sadd.s32 s4, s5;
	[dreg:$0x7] =	wrdreg s22  }
0x15: {  	s24 =	simm.s32 $0x6;
	s26 =	sadd.s32 s2, s5;
	[dreg:$0xa] =	wrdreg s31  }
0x16: {  	s22 =	simm.s32 $0x4;
	[dreg:$0x9] =	wrdreg s26;
	s26 =	simm.s32 $0x8  }
.LBB2_4:
0x17: {  	_ =	swait.ge [sflag:s24], $0x4000  }
0x18: {  	[sflag:s24] =	ssyncset.done $0x0  }
0x19: {  	[sflag:s24] =	ssyncadd.s32 $0xFFFFC000  }
0x1a: {  	_ =	swait.ge [sflag:s25], $0x4000  }
0x1b: {  	[sflag:s25] =	ssyncset.done $0x0  }
0x1c: {  	[sflag:s25] =	ssyncadd.s32 $0xFFFFC000  }
0x1d: {  	_ =	swait.ge [sflag:s26], $0x4000  }
0x1e: {  	[sflag:s26] =	ssyncset.done $0x0  }
0x1f: {  	[sflag:s26] =	ssyncadd.s32 $0xFFFFC000  }
0x20: {  	_ =	swait.ge [sflag:s28], $0x4000  }
0x21: {  	[sflag:s28] =	ssyncset.done $0x0  }
0x22: {  	[sflag:s28] =	ssyncadd.s32 $0xFFFFC000  }
0x23: {  	_ =	swait.ge [sflag:s29], $0x4000  }
0x24: {  	s30 =	sadd.s32 $0x1, s30;
	s0 =	rddreg [dreg:$0x5]  }
0x25: {  	p0 =	sne.s32 s30, s0  }
.Ltmp1:
0x26: {  	_ = 	snop;
	(pc) =	sbr.rel @!p0 .LBB2_5-.Ltmp1, $3  }
0x27: {  	_ =	sdelay $0x1  }
0x28: {  	[sflag:s29] =	ssyncset.done $0x0  }
0x29: {  	[sflag:s29] =	ssyncadd.s32 $0xFFFFC000  }
.LBB2_1:
0x2a: {  	s0 =	rddreg [dreg:$0x4]  }
0x2b: {  	[tilespmem:s3], [sflag:$0xB] =	stream.linear.gather [hbm4b:s0+s3], $0x1900, $0x38;
	[tilespmem:$0x15C00] =	vst v63  }
0x2c: {  	_ =	swait.ge [sflag:s11], $0x1900  }
0x2d: {  	s31 =	rddreg [dreg:$0xa]  }
0x2e: {  	[sflag:s11] =	ssyncset.done $0x0;
	s9 =	rddreg [dreg:$0x9]  }
0x2f: {  	s8 =	rddreg [dreg:$0x8];
	[sflag:s11] =	ssyncadd.s32 $0xFFFFE700  }
0x30: {  	[tilespmem:s13], [sflag:$0x1] =	stream.indirect.gather [hbm4b:s1+s12], $0x80, s3, s12, $0xb8;
	[tilespmem:$0x15C00] =	vst v63  }
0x31: {  	s7 =	rddreg [dreg:$0x7]  }
0x32: {  	[tilespmem:s14], [sflag:$0x2] =	stream.indirect.gather [hbm4b:s1+s12], $0x80, s12, s12, $0xb8;
	[tilespmem:$0x15C00] =	vst v63  }
0x33: {  	s15 =	simm.s32 $0x100;
	s5 =	simm.s32 $0x0;
	s6 =	rddreg [dreg:$0x6]  }
0x34: {  	[tilespmem:s16], [sflag:$0x3] =	stream.indirect.gather [hbm4b:s1+s12], $0x80, s15, s12, $0xb8;
	[tilespmem:$0x15C00] =	vst v63  }
.LBB2_2:
0x35: {  	_ =	swait.ge [sflag:s17], $0x4000  }
0x36: {  	p0 =	seq.s32 s5, $0x0;
	[sflag:s17] =	ssyncset.done $0x0  }
0x37: {  	s15 =	simm.s32 @!p0 $0x9;
	[sflag:s17] =	ssyncadd.s32 $0xFFFFC000  }
0x38: {  	[hbm4b:s6+s3] =	stream.linear.scatter [tilespmem:s13], [sflag:$0x6], $0x4000, $0x38;
	[tilespmem:$0x15C00] =	vst v63  }
0x39: {  	_ =	swait.ge @!p0 [sflag:s15], $0x4000  }
0x3a: {  	s4 =	sshra.s32 s5, $0x2;
	[sflag:s15] =	ssyncset.done @!p0 $0x0  }
0x3b: {  	s2 =	sadd.s32 $0x180, s4;
	[sflag:s15] =	ssyncadd.s32 @!p0 $0xFFFFC000  }
0x3c: {  	[tilespmem:s18], [sflag:$0x4] =	stream.indirect.gather [hbm4b:s1+s12], $0x80, s2, s12, $0xb8;
	[tilespmem:$0x15C00] =	vst v63  }
0x3d: {  	_ =	swait.ge [sflag:s19], $0x4000  }
0x3e: {  	[sflag:s19] =	ssyncset.done $0x0  }
0x3f: {  	s15 =	simm.s32 @!p0 $0xA;
	[sflag:s19] =	ssyncadd.s32 $0xFFFFC000  }
0x40: {  	[hbm4b:s31+s3] =	stream.linear.scatter [tilespmem:s14], [sflag:$0x7], $0x4000, $0x38;
	[tilespmem:$0x15C00] =	vst v63  }
0x41: {  	_ =	swait.ge @!p0 [sflag:s15], $0x4000  }
0x42: {  	[sflag:s15] =	ssyncset.done @!p0 $0x0  }
0x43: {  	s10 =	sadd.s32 $0x200, s4;
	[sflag:s15] =	ssyncadd.s32 @!p0 $0xFFFFC000  }
0x44: {  	[tilespmem:s20], [sflag:$0x5] =	stream.indirect.gather [hbm4b:s1+s12], $0x80, s10, s12, $0xb8;
	[tilespmem:$0x15C00] =	vst v63  }
0x45: {  	_ =	swait.ge [sflag:s21], $0x4000  }
0x46: {  	p0 =	seq.s32 s5, $0x5A00;
	[sflag:s21] =	ssyncset.done $0x0  }
0x47: {  	s15 =	simm.s32 @!p0 $0x6;
	[sflag:s21] =	ssyncadd.s32 $0xFFFFC000  }
0x48: {  	[hbm4b:s9+s3] =	stream.linear.scatter [tilespmem:s16], [sflag:$0x8], $0x4000, $0x38;
	[tilespmem:$0x15C00] =	vst v63  }
0x49: {  	_ =	swait.ge @!p0 [sflag:s15], $0x4000  }
0x4a: {  	[sflag:s15] =	ssyncset.done @!p0 $0x0  }
0x4b: {  	[sflag:s15] =	ssyncadd.s32 @!p0 $0xFFFFC000;
	s15 =	sshra.s32 @!p0 s5, $0x2  }
0x4c: {  	s2 =	simm.s32 @!p0 $0x80;
	s10 =	simm.s32 @!p0 $0x1C00;
	s0 =	sadd.s32 @!p0 $0x280, s15  }
0x4d: {  	[tilespmem:s10], [sflag:$0x1] =	stream.indirect.gather @!p0 [hbm4b:s1+s2], $0x80, s0, s2, $0xb8;
	[tilespmem:$0x15C00] =	vst v63  }
0x4e: {  	_ =	swait.ge [sflag:s22], $0x4000  }
0x4f: {  	[sflag:s22] =	ssyncset.done $0x0  }
0x50: {  	s0 =	simm.s32 @!p0 $0x7;
	[sflag:s22] =	ssyncadd.s32 $0xFFFFC000  }
0x51: {  	[hbm4b:s8+s3] =	stream.linear.scatter [tilespmem:s18], [sflag:$0x9], $0x4000, $0x38;
	[tilespmem:$0x15C00] =	vst v63  }
0x52: {  	_ =	swait.ge @!p0 [sflag:s0], $0x4000  }
0x53: {  	[sflag:s0] =	ssyncset.done @!p0 $0x0  }
0x54: {  	s10 =	simm.s32 @!p0 $0x5C00;
	[sflag:s0] =	ssyncadd.s32 @!p0 $0xFFFFC000;
	s0 =	sadd.s32 @!p0 $0x300, s15  }
0x55: {  	[tilespmem:s10], [sflag:$0x2] =	stream.indirect.gather @!p0 [hbm4b:s1+s2], $0x80, s0, s2, $0xb8;
	[tilespmem:$0x15C00] =	vst v63  }
.Ltmp2:
0x56: {  	_ = 	snop;
	(pc) =	sbr.rel @p0 .LBB2_4-.Ltmp2, $4  }
0x57: {  	_ =	swait.ge [sflag:s23], $0x4000  }
0x58: {  	[sflag:s23] =	ssyncset.done $0x0  }
0x59: {  	[sflag:s23] =	ssyncadd.s32 $0xFFFFC000  }
0x5a: {  	[hbm4b:s7+s3] =	stream.linear.scatter [tilespmem:s20], [sflag:$0xA], $0x4000, $0x38;
	[tilespmem:$0x15C00] =	vst v63  }
.Ltmp3:
0x5b: {  	_ =	swait.ge [sflag:s26], $0x4000;
	(pc) =	sbr.rel .LBB2_2-.Ltmp3, $4  }
0x5c: {  	s0 =	sadd.s32 $0x380, s4;
	s5 =	sadd.s32 $0xA00, s5;
	s6 =	sadd.s32 $0x2800, s6  }
0x5d: {  	s7 =	sadd.s32 $0x2800, s7;
	s8 =	sadd.s32 $0x2800, s8;
	[sflag:s26] =	ssyncset.done $0x0  }
0x5e: {  	s9 =	sadd.s32 $0x2800, s9;
	s31 =	sadd.s32 $0x2800, s31;
	[sflag:s26] =	ssyncadd.s32 $0xFFFFC000  }
0x5f: {  	[tilespmem:s16], [sflag:$0x3] =	stream.indirect.gather [hbm4b:s1+s12], $0x80, s0, s12, $0xb8;
	[tilespmem:$0x15C00] =	vst v63  }
.LBB2_5:
0x60: {  	_ =	sfence.sel $0x180000  }
0x61: {  	[bflag:$0x0] =	sbarrier.arrive $0xFFFF  }
0x62: {  	_ =	strace $0x90000047  }
0x63: {  	s0 =	stileid.u32;
	[bflag:$0x2] =	sbarrier.arrive $0xFFFF  }
0x64: {  	p0 =	sne.s32 s0, $0x0;
	s0 =	rddreg [dreg:$0x3]  }
0x65: {  	s0 =	sadd.s32 @!p0 $0x100000, s0  }
0x66: {  	[sflag:s0] =	ssyncadd.tile.s32 @!p0 $0x1;
	_ =	shalt  }
.Lfunc_end2:
_tile_overlayer_lowered:
.L_overlay_start_2:
0x67: {  	(tag) =	ssettag $0x2  }
0x68: {  	s0 =	rddreg [dreg:$0x0];
	s2 =	stileid.u32  }
0x69: {  	s1 =	rddreg [dreg:$0x1];
	p0 =	sne.s32 s2, $0x0  }
0x6a: {  	s3 =	rddreg [dreg:$0x2];
	[bflag:$0x3] =	sbarrier.arrive $0xFFFF;
	s2 =	simm.s32 @!p0 $0x1C0B  }
0x6b: {  	[timem:s3], [sflag:s2] =	dma.local @!p0 [hbm:s0], s1  }
0x6c: {  	s0 =	simm.s32 @!p0 $0xB  }
0x6d: {  	_ =	swait.ge @!p0 [sflag:s0], s1  }
0x6e: {  	s1 =	ssub.s32 @!p0 $0x0, s1;
	[sflag:s0] =	ssyncset.done @!p0 $0x0  }
0x6f: {  	[sflag:s0] =	ssyncadd.s32 @!p0 s1  }
0x70: {  	[bflag:$0x3] =	sbarrier.arrive $0xFFFF  }
0x71: {  	_ =	shalt  }

</sc_bundles>
